<compile_context>
chip_gen: v7x
topology: tpu7x:2x2x1
jax: 0.10.2.dev20260603
libtpu: 0.0.44.dev20260713+nightly
codegen_flags: <defaults>
</compile_context>

<pallas_src>
import functools

import jax
import jax.numpy as jnp
from jax import lax
from jax.experimental import pallas as pl
from jax.experimental.pallas import tpu as pltpu
from jax.experimental.pallas import tpu_sc as plsc

VOCAB = 100000
D = 1024
B = 2
S = 2048
N_TOK = B * S

NC = 2
NS = 16
NW = NC * NS
B_PER_W = N_TOK // NW
CHUNK = 64
N_CH = B_PER_W // CHUNK
W_PER_BATCH = S // B_PER_W


def _sc_gather(table, ids):
    mesh = plsc.VectorSubcoreMesh(core_axis_name="c", subcore_axis_name="s")

    @functools.partial(
        pl.kernel,
        mesh=mesh,
        out_type=jax.ShapeDtypeStruct((B, S, D), jnp.float32),
        scratch_types=[
            pltpu.VMEM((B_PER_W,), jnp.int32),
            pltpu.VMEM((CHUNK, D), jnp.float32),
            pltpu.SemaphoreType.DMA,
        ],
    )
    def k(table_hbm, ids_hbm, out_hbm, idx_v, rows_v, sem):
        wid = lax.axis_index("s") * NC + lax.axis_index("c")
        b = wid // W_PER_BATCH
        col = (wid % W_PER_BATCH) * B_PER_W
        pltpu.sync_copy(ids_hbm.at[b, pl.ds(col, B_PER_W)], idx_v)
        for ci in range(N_CH):
            pltpu.async_copy(
                table_hbm.at[idx_v.at[pl.ds(ci * CHUNK, CHUNK)]], rows_v, sem
            ).wait()
            pltpu.sync_copy(rows_v, out_hbm.at[b, pl.ds(col + ci * CHUNK, CHUNK)])

    return k(table, ids)


_MIN_F32 = jnp.finfo(jnp.float32).min
_ROW_BLK = 512


def _mask_body(am_ref, pos_ref, lab_ref, mask_ref, pos_out_ref, lab_out_ref):
    bi = pl.program_id(0)
    r = pl.program_id(1)
    rows = lax.broadcasted_iota(jnp.int32, (1, 1, _ROW_BLK, S), 2) + r * _ROW_BLK
    cols = lax.broadcasted_iota(jnp.int32, (1, 1, _ROW_BLK, S), 3)
    causal = jnp.where(cols > rows, _MIN_F32, jnp.float32(0.0))
    pad = am_ref[pl.ds(bi, 1), :].reshape(1, 1, 1, S)
    m = jnp.where(pad == 0, _MIN_F32, causal)
    mask_ref[...] = m.astype(jnp.int32)
    pos_out_ref[...] = pos_ref[...]
    lab_out_ref[...] = lab_ref[...]


def _tc_mask(attention_mask, position_ids, labels):
    full = pl.BlockSpec((B, S), lambda b, r: (0, 0))
    return pl.pallas_call(
        _mask_body,
        grid=(B, S // _ROW_BLK),
        in_specs=[full, full, full],
        out_specs=[
            pl.BlockSpec((1, 1, _ROW_BLK, S), lambda b, r: (b, 0, r, 0)),
            full,
            full,
        ],
        out_shape=[
            jax.ShapeDtypeStruct((B, 1, S, S), jnp.int32),
            jax.ShapeDtypeStruct((B, S), jnp.int32),
            jax.ShapeDtypeStruct((B, S), jnp.int32),
        ],
    )(attention_mask, position_ids, labels)


def kernel(input_ids, attention_mask, position_ids, labels, embed_weight):
    hidden = _sc_gather(embed_weight, input_ids.astype(jnp.int32))
    mask4d, pos_out, lab_out = _tc_mask(
        attention_mask.astype(jnp.int32),
        position_ids.astype(jnp.int32),
        labels.astype(jnp.int32),
    )
    return (hidden, mask4d, pos_out, lab_out)

# --- scband reference (transcript-rebuilt; emitter-appended) ---
"""Pipeline reference for scband-embedding-pipe-layer-23845658428273 (READ-ONLY COPY).

The authoritative reference and input builder live on the scoring server;
editing this copy changes nothing except your own understanding.
"""

import jax, jax.numpy as jnp
import numpy as np

VOCAB = 100000
D = 1024
B = 2
S = 2048


def setup_inputs(seed: int = 0) -> dict:
    key = jax.random.key(seed)
    k1, k2, k3 = jax.random.split(key, 3)
    input_ids = jax.random.randint(k1, (B, S), 0, VOCAB)
    attention_mask = jnp.ones((B, S), dtype=jnp.int32)
    position_ids = jnp.arange(B * S).reshape(B, S)
    labels = jax.random.randint(k2, (B, S), 0, VOCAB)
    embed_weight = jax.random.normal(k3, (VOCAB, D), dtype=jnp.float32) * 0.02
    return {
        "input_ids": input_ids,
        "attention_mask": attention_mask,
        "position_ids": position_ids,
        "labels": labels,
        "embed_weight": embed_weight,
    }


def _prepare_4d_causal_attention_mask(attention_mask, batch, seq_len, dtype):
    # HF-style: causal upper-triangular mask with dtype-min, combined with padding mask.
    min_val = jnp.finfo(dtype).min
    causal = jnp.triu(jnp.full((seq_len, seq_len), min_val, dtype=dtype), k=1)
    causal = jnp.broadcast_to(causal[None, None, :, :], (batch, 1, seq_len, seq_len))
    pad = attention_mask[:, None, None, :].astype(dtype)  # [B,1,1,S]
    mask4d = jnp.where(pad == 0, min_val, causal)
    return mask4d


def reference(input_ids, attention_mask, position_ids, labels, embed_weight):
    vocab_size = embed_weight.shape[0]
    input_ids = jnp.clip(input_ids.astype(jnp.int32), 0, vocab_size - 1)
    position_ids = position_ids.astype(jnp.int32)
    labels = jnp.clip(labels.astype(jnp.int32), -100, vocab_size - 1)
    # embedding lookup (gather)
    hidden_states = jnp.take(embed_weight, input_ids, axis=0)
    batch_size, seq_length = input_ids.shape
    mask4d = _prepare_4d_causal_attention_mask(
        attention_mask, batch_size, seq_length, hidden_states.dtype
    )
    mask4d = mask4d.astype(jnp.int64)
    return (hidden_states, mask4d, position_ids, labels)

if __name__ == "__main__":
    import jax
    _d = setup_inputs()
    print(jax.jit(kernel)(*tuple(_d.values())))

</pallas_src>

<mosaic_0001>
#map = affine_map<(d0, d1) -> (0, 0)>
#map1 = affine_map<(d0, d1) -> (0, 0, 0)>
module attributes {stable_mosaic.version = 14 : i64} {
  func.func @k(%arg0: i32, %arg1: i32, %arg2: memref<100000x1024xf32, #tpu.memory_space<hbm>>, %arg3: memref<2x2048xi32, #tpu.memory_space<hbm>>, %arg4: memref<2x2048x1024xf32, #tpu.memory_space<hbm>>, %arg5: memref<128xi32, #tpu.memory_space<vmem>>, %arg6: memref<64x1024xf32, #tpu.memory_space<vmem>>, %arg7: memref<!tpu.dma_semaphore, #tpu.memory_space<semaphore_mem>>) attributes {dimension_semantics = [#tpu.dimension_semantics<core_parallel>, #tpu.dimension_semantics<subcore_parallel>], iteration_bounds = array<i64: 2, 16>, scalar_prefetch = 0 : i64, scratch_operands = 3 : i64, tpu.core_type = #tpu.core_type<sc_vector_subcore>, window_params = [{transform_indices = #map}, {transform_indices = #map}, {transform_indices = #map1}]} {
    %mul3A = arith.constant 2 : i32
    %mul3A_0 = arith.muli %arg1, %mul3A : i32
    %add3A = arith.addi %mul3A_0, %arg0 : i32
    %jit3A = arith.constant 16 : i32
    %div3A = arith.divsi %add3A, %jit3A : i32
    %sign3A = arith.constant 0 : i32
    %sign3A_1 = arith.cmpi sgt, %add3A, %sign3A : i32
    %sign3A_2 = arith.extui %sign3A_1 : i1 to i32
    %sign3A_3 = arith.constant 0 : i32
    %sign3A_4 = arith.cmpi slt, %add3A, %sign3A_3 : i32
    %sign3A_5 = arith.extui %sign3A_4 : i1 to i32
    %sign3A_6 = arith.subi %sign3A_2, %sign3A_5 : i32
    %sign3A_7 = arith.constant 0 : i32
    %sign3A_8 = arith.cmpi sgt, %jit3A, %sign3A_7 : i32
    %sign3A_9 = arith.extui %sign3A_8 : i1 to i32
    %sign3A_10 = arith.constant 0 : i32
    %sign3A_11 = arith.cmpi slt, %jit3A, %sign3A_10 : i32
    %sign3A_12 = arith.extui %sign3A_11 : i1 to i32
    %sign3A_13 = arith.subi %sign3A_9, %sign3A_12 : i32
    %ne3A = arith.cmpi ne, %sign3A_6, %sign3A_13 : i32
    %rem3A = arith.remsi %add3A, %jit3A : i32
    %ne3A_14 = arith.constant 0 : i32
    %ne3A_15 = arith.cmpi ne, %rem3A, %ne3A_14 : i32
    %and3A = arith.andi %ne3A, %ne3A_15 : i1
    %sub3A = arith.constant 1 : i32
    %sub3A_16 = arith.subi %div3A, %sub3A : i32
    %select_n3A = arith.select %and3A, %sub3A_16, %div3A : i32
    %jit3A_17 = arith.constant 16 : i32
    %eq3A = arith.constant 0 : i32
    %eq3A_18 = arith.cmpi eq, %jit3A_17, %eq3A : i32
    %jit3A_19 = arith.constant 1 : i32
    %select_n3A_20 = arith.select %eq3A_18, %jit3A_19, %jit3A_17 : i32
    %rem3A_21 = arith.remsi %add3A, %select_n3A_20 : i32
    %ne3A_22 = arith.constant 0 : i32
    %ne3A_23 = arith.cmpi ne, %rem3A_21, %ne3A_22 : i32
    %lt3A = arith.constant 0 : i32
    %lt3A_24 = arith.cmpi slt, %rem3A_21, %lt3A : i32
    %lt3A_25 = arith.constant 0 : i32
    %lt3A_26 = arith.cmpi slt, %select_n3A_20, %lt3A_25 : i32
    %ne3A_27 = arith.xori %lt3A_24, %lt3A_26 : i1
    %and3A_28 = arith.andi %ne3A_27, %ne3A_23 : i1
    %add3A_29 = arith.addi %rem3A_21, %select_n3A_20 : i32
    %select_n3A_30 = arith.select %and3A_28, %add3A_29, %rem3A_21 : i32
    %mul3A_31 = arith.constant 128 : i32
    %mul3A_32 = arith.muli %select_n3A_30, %mul3A_31 : i32
    "tpu.region"() ({
      %run_scoped3A = tpu.sem_alloc : memref<!tpu.dma_semaphore, #tpu.memory_space<semaphore_mem>>
      %dma_start3A_55 = tpu.memref_slice %arg3[%select_n3A, %mul3A_32] : memref<2x2048xi32, #tpu.memory_space<hbm>> -> memref<1x128xi32, #tpu.memory_space<hbm>>
      %dma_start3A_56 = tpu.memref_squeeze %dma_start3A_55 : memref<1x128xi32, #tpu.memory_space<hbm>> -> memref<128xi32, #tpu.memory_space<hbm>>
      %dma_start3A_57 = tpu.memref_slice %arg3[%select_n3A, %mul3A_32] : memref<2x2048xi32, #tpu.memory_space<hbm>> -> memref<1x128xi32, #tpu.memory_space<hbm>>
      %dma_start3A_58 = tpu.memref_squeeze %dma_start3A_57 : memref<1x128xi32, #tpu.memory_space<hbm>> -> memref<128xi32, #tpu.memory_space<hbm>>
      tpu.enqueue_dma source(%dma_start3A_58 : memref<128xi32, #tpu.memory_space<hbm>>) target(%arg5 : memref<128xi32, #tpu.memory_space<vmem>>) target_semaphore(%run_scoped3A : memref<!tpu.dma_semaphore, #tpu.memory_space<semaphore_mem>>)
      %dma_wait3A_59 = tpu.memref_slice %arg3[%select_n3A, %mul3A_32] : memref<2x2048xi32, #tpu.memory_space<hbm>> -> memref<1x128xi32, #tpu.memory_space<hbm>>
      %dma_wait3A_60 = tpu.memref_squeeze %dma_wait3A_59 : memref<1x128xi32, #tpu.memory_space<hbm>> -> memref<128xi32, #tpu.memory_space<hbm>>
      %dma_wait3A_61 = tpu.memref_slice %arg3[%select_n3A, %mul3A_32] : memref<2x2048xi32, #tpu.memory_space<hbm>> -> memref<1x128xi32, #tpu.memory_space<hbm>>
      %dma_wait3A_62 = tpu.memref_squeeze %dma_wait3A_61 : memref<1x128xi32, #tpu.memory_space<hbm>> -> memref<128xi32, #tpu.memory_space<hbm>>
      tpu.wait_dma2 semaphore(%run_scoped3A : memref<!tpu.dma_semaphore, #tpu.memory_space<semaphore_mem>>) src(%dma_wait3A_62 : memref<128xi32, #tpu.memory_space<hbm>>) dst(%arg5 : memref<128xi32, #tpu.memory_space<vmem>>)
      tpu.yield
    }) : () -> ()
    %dma_start3A = arith.constant 0 : i32
    %dma_start3A_33 = tpu.memref_slice %arg5[%dma_start3A] : memref<128xi32, #tpu.memory_space<vmem>> -> memref<64xi32, #tpu.memory_space<vmem>>
    %dma_start3A_34 = arith.constant 0 : i32
    %dma_start3A_35 = arith.constant 0 : i32
    %dma_start3A_36 = tpu.memref_slice %arg2[%dma_start3A_34, %dma_start3A_35] : memref<100000x1024xf32, #tpu.memory_space<hbm>> -> memref<100000x1024xf32, #tpu.memory_space<hbm>>
    tpu.enqueue_indirect_dma source(%dma_start3A_36 : memref<100000x1024xf32, #tpu.memory_space<hbm>>) target(%arg6 : memref<64x1024xf32, #tpu.memory_space<vmem>>) offsets(%dma_start3A_33 : memref<64xi32, #tpu.memory_space<vmem>>) semaphore(%arg7 : memref<!tpu.dma_semaphore, #tpu.memory_space<semaphore_mem>>)
    %dma_wait3A = arith.constant 0 : i32
    %dma_wait3A_37 = tpu.memref_slice %arg5[%dma_wait3A] : memref<128xi32, #tpu.memory_space<vmem>> -> memref<64xi32, #tpu.memory_space<vmem>>
    %dma_wait3A_38 = arith.constant 0 : i32
    %dma_wait3A_39 = arith.constant 0 : i32
    %dma_wait3A_40 = tpu.memref_slice %arg2[%dma_wait3A_38, %dma_wait3A_39] : memref<100000x1024xf32, #tpu.memory_space<hbm>> -> memref<100000x1024xf32, #tpu.memory_space<hbm>>
    tpu.wait_indirect_dma semaphore(%arg7 : memref<!tpu.dma_semaphore, #tpu.memory_space<semaphore_mem>>) src(%dma_wait3A_40 : memref<100000x1024xf32, #tpu.memory_space<hbm>>) dst(%arg6 : memref<64x1024xf32, #tpu.memory_space<vmem>>)
    %add3A_41 = arith.constant 0 : i32
    %add3A_42 = arith.addi %mul3A_32, %add3A_41 : i32
    "tpu.region"() ({
      %run_scoped3A = tpu.sem_alloc : memref<!tpu.dma_semaphore, #tpu.memory_space<semaphore_mem>>
      %dma_start3A_55 = arith.constant 0 : i32
      %dma_start3A_56 = tpu.memref_slice %arg4[%select_n3A, %add3A_42, %dma_start3A_55] : memref<2x2048x1024xf32, #tpu.memory_space<hbm>> -> memref<1x64x1024xf32, #tpu.memory_space<hbm>>
      %dma_start3A_57 = tpu.memref_squeeze %dma_start3A_56 : memref<1x64x1024xf32, #tpu.memory_space<hbm>> -> memref<64x1024xf32, #tpu.memory_space<hbm>>
      %dma_start3A_58 = arith.constant 0 : i32
      %dma_start3A_59 = tpu.memref_slice %arg4[%select_n3A, %add3A_42, %dma_start3A_58] : memref<2x2048x1024xf32, #tpu.memory_space<hbm>> -> memref<1x64x1024xf32, #tpu.memory_space<hbm>>
      %dma_start3A_60 = tpu.memref_squeeze %dma_start3A_59 : memref<1x64x1024xf32, #tpu.memory_space<hbm>> -> memref<64x1024xf32, #tpu.memory_space<hbm>>
      tpu.enqueue_dma source(%arg6 : memref<64x1024xf32, #tpu.memory_space<vmem>>) target(%dma_start3A_60 : memref<64x1024xf32, #tpu.memory_space<hbm>>) target_semaphore(%run_scoped3A : memref<!tpu.dma_semaphore, #tpu.memory_space<semaphore_mem>>)
      %dma_wait3A_61 = arith.constant 0 : i32
      %dma_wait3A_62 = tpu.memref_slice %arg4[%select_n3A, %add3A_42, %dma_wait3A_61] : memref<2x2048x1024xf32, #tpu.memory_space<hbm>> -> memref<1x64x1024xf32, #tpu.memory_space<hbm>>
      %dma_wait3A_63 = tpu.memref_squeeze %dma_wait3A_62 : memref<1x64x1024xf32, #tpu.memory_space<hbm>> -> memref<64x1024xf32, #tpu.memory_space<hbm>>
      %dma_wait3A_64 = arith.constant 0 : i32
      %dma_wait3A_65 = tpu.memref_slice %arg4[%select_n3A, %add3A_42, %dma_wait3A_64] : memref<2x2048x1024xf32, #tpu.memory_space<hbm>> -> memref<1x64x1024xf32, #tpu.memory_space<hbm>>
      %dma_wait3A_66 = tpu.memref_squeeze %dma_wait3A_65 : memref<1x64x1024xf32, #tpu.memory_space<hbm>> -> memref<64x1024xf32, #tpu.memory_space<hbm>>
      tpu.wait_dma2 semaphore(%run_scoped3A : memref<!tpu.dma_semaphore, #tpu.memory_space<semaphore_mem>>) src(%arg6 : memref<64x1024xf32, #tpu.memory_space<vmem>>) dst(%dma_wait3A_66 : memref<64x1024xf32, #tpu.memory_space<hbm>>)
      tpu.yield
    }) : () -> ()
    %dma_start3A_43 = arith.constant 64 : i32
    %dma_start3A_44 = tpu.memref_slice %arg5[%dma_start3A_43] : memref<128xi32, #tpu.memory_space<vmem>> -> memref<64xi32, #tpu.memory_space<vmem>>
    %dma_start3A_45 = arith.constant 0 : i32
    %dma_start3A_46 = arith.constant 0 : i32
    %dma_start3A_47 = tpu.memref_slice %arg2[%dma_start3A_45, %dma_start3A_46] : memref<100000x1024xf32, #tpu.memory_space<hbm>> -> memref<100000x1024xf32, #tpu.memory_space<hbm>>
    tpu.enqueue_indirect_dma source(%dma_start3A_47 : memref<100000x1024xf32, #tpu.memory_space<hbm>>) target(%arg6 : memref<64x1024xf32, #tpu.memory_space<vmem>>) offsets(%dma_start3A_44 : memref<64xi32, #tpu.memory_space<vmem>>) semaphore(%arg7 : memref<!tpu.dma_semaphore, #tpu.memory_space<semaphore_mem>>)
    %dma_wait3A_48 = arith.constant 64 : i32
    %dma_wait3A_49 = tpu.memref_slice %arg5[%dma_wait3A_48] : memref<128xi32, #tpu.memory_space<vmem>> -> memref<64xi32, #tpu.memory_space<vmem>>
    %dma_wait3A_50 = arith.constant 0 : i32
    %dma_wait3A_51 = arith.constant 0 : i32
    %dma_wait3A_52 = tpu.memref_slice %arg2[%dma_wait3A_50, %dma_wait3A_51] : memref<100000x1024xf32, #tpu.memory_space<hbm>> -> memref<100000x1024xf32, #tpu.memory_space<hbm>>
    tpu.wait_indirect_dma semaphore(%arg7 : memref<!tpu.dma_semaphore, #tpu.memory_space<semaphore_mem>>) src(%dma_wait3A_52 : memref<100000x1024xf32, #tpu.memory_space<hbm>>) dst(%arg6 : memref<64x1024xf32, #tpu.memory_space<vmem>>)
    %add3A_53 = arith.constant 64 : i32
    %add3A_54 = arith.addi %mul3A_32, %add3A_53 : i32
    "tpu.region"() ({
      %run_scoped3A = tpu.sem_alloc : memref<!tpu.dma_semaphore, #tpu.memory_space<semaphore_mem>>
      %dma_start3A_55 = arith.constant 0 : i32
      %dma_start3A_56 = tpu.memref_slice %arg4[%select_n3A, %add3A_54, %dma_start3A_55] : memref<2x2048x1024xf32, #tpu.memory_space<hbm>> -> memref<1x64x1024xf32, #tpu.memory_space<hbm>>
      %dma_start3A_57 = tpu.memref_squeeze %dma_start3A_56 : memref<1x64x1024xf32, #tpu.memory_space<hbm>> -> memref<64x1024xf32, #tpu.memory_space<hbm>>
      %dma_start3A_58 = arith.constant 0 : i32
      %dma_start3A_59 = tpu.memref_slice %arg4[%select_n3A, %add3A_54, %dma_start3A_58] : memref<2x2048x1024xf32, #tpu.memory_space<hbm>> -> memref<1x64x1024xf32, #tpu.memory_space<hbm>>
      %dma_start3A_60 = tpu.memref_squeeze %dma_start3A_59 : memref<1x64x1024xf32, #tpu.memory_space<hbm>> -> memref<64x1024xf32, #tpu.memory_space<hbm>>
      tpu.enqueue_dma source(%arg6 : memref<64x1024xf32, #tpu.memory_space<vmem>>) target(%dma_start3A_60 : memref<64x1024xf32, #tpu.memory_space<hbm>>) target_semaphore(%run_scoped3A : memref<!tpu.dma_semaphore, #tpu.memory_space<semaphore_mem>>)
      %dma_wait3A_61 = arith.constant 0 : i32
      %dma_wait3A_62 = tpu.memref_slice %arg4[%select_n3A, %add3A_54, %dma_wait3A_61] : memref<2x2048x1024xf32, #tpu.memory_space<hbm>> -> memref<1x64x1024xf32, #tpu.memory_space<hbm>>
      %dma_wait3A_63 = tpu.memref_squeeze %dma_wait3A_62 : memref<1x64x1024xf32, #tpu.memory_space<hbm>> -> memref<64x1024xf32, #tpu.memory_space<hbm>>
      %dma_wait3A_64 = arith.constant 0 : i32
      %dma_wait3A_65 = tpu.memref_slice %arg4[%select_n3A, %add3A_54, %dma_wait3A_64] : memref<2x2048x1024xf32, #tpu.memory_space<hbm>> -> memref<1x64x1024xf32, #tpu.memory_space<hbm>>
      %dma_wait3A_66 = tpu.memref_squeeze %dma_wait3A_65 : memref<1x64x1024xf32, #tpu.memory_space<hbm>> -> memref<64x1024xf32, #tpu.memory_space<hbm>>
      tpu.wait_dma2 semaphore(%run_scoped3A : memref<!tpu.dma_semaphore, #tpu.memory_space<semaphore_mem>>) src(%arg6 : memref<64x1024xf32, #tpu.memory_space<vmem>>) dst(%dma_wait3A_66 : memref<64x1024xf32, #tpu.memory_space<hbm>>)
      tpu.yield
    }) : () -> ()
    return
  }
}

module attributes {stable_mosaic.version = 14 : i64} {
  func.func @_mask_body(%arg0: i32, %arg1: i32, %arg2: memref<2x2048xi32, #tpu.memory_space<vmem>>, %arg3: memref<2x2048xi32, #tpu.memory_space<vmem>>, %arg4: memref<2x2048xi32, #tpu.memory_space<vmem>>, %arg5: memref<1x1x512x2048xi32, #tpu.memory_space<vmem>>, %arg6: memref<2x2048xi32, #tpu.memory_space<vmem>>, %arg7: memref<2x2048xi32, #tpu.memory_space<vmem>>) attributes {dimension_semantics = [#tpu.dimension_semantics<arbitrary>, #tpu.dimension_semantics<arbitrary>], iteration_bounds = array<i64: 2, 4>, scalar_prefetch = 0 : i64, scratch_operands = 0 : i64, tpu.core_type = #tpu.core_type<tc>, window_params = [{pipeline_mode = #tpu.pipeline_mode<synchronous>, transform_indices = @transform_0, window_bounds = array<i64: 2, 2048>}, {pipeline_mode = #tpu.pipeline_mode<synchronous>, transform_indices = @transform_1, window_bounds = array<i64: 2, 2048>}, {pipeline_mode = #tpu.pipeline_mode<synchronous>, transform_indices = @transform_2, window_bounds = array<i64: 2, 2048>}, {transform_indices = @transform_3, window_bounds = array<i64: 1, 1, 512, 2048>}, {pipeline_mode = #tpu.pipeline_mode<synchronous>, transform_indices = @transform_4, window_bounds = array<i64: 2, 2048>}, {pipeline_mode = #tpu.pipeline_mode<synchronous>, transform_indices = @transform_5, window_bounds = array<i64: 2, 2048>}]} {
    %iota3A = tpu.iota {dimensions = array<i32: 2>} : vector<1x1x512x2048xi32>
    %mul3A = arith.constant 512 : i32
    %mul3A_0 = arith.muli %arg1, %mul3A : i32
    %add3A = vector.broadcast %mul3A_0 : i32 to vector<1x1x512x2048xi32>
    %add3A_1 = arith.addi %iota3A, %add3A : vector<1x1x512x2048xi32>
    %iota3A_2 = tpu.iota {dimensions = array<i32: 3>} : vector<1x1x512x2048xi32>
    %gt3A = arith.cmpi sgt, %iota3A_2, %add3A_1 : vector<1x1x512x2048xi32>
    %jit3A = arith.constant -3.40282347E+38 : f32
    %jit3A_3 = arith.constant 0.000000e+00 : f32
    %broadcast_in_dim3A = vector.broadcast %jit3A : f32 to vector<1x1x512x2048xf32>
    %broadcast_in_dim3A_4 = vector.broadcast %jit3A_3 : f32 to vector<1x1x512x2048xf32>
    %select_n3A = arith.select %gt3A, %broadcast_in_dim3A, %broadcast_in_dim3A_4 : vector<1x1x512x2048xi1>, vector<1x1x512x2048xf32>
    %get3A = arith.index_cast %arg0 : i32 to index
    %get3A_5 = arith.constant 0 : index
    %get3A_6 = vector.load %arg2[%get3A, %get3A_5] : memref<2x2048xi32, #tpu.memory_space<vmem>>, vector<1x2048xi32>
    %reshape3A = vector.shape_cast %get3A_6 : vector<1x2048xi32> to vector<1x1x1x2048xi32>
    %eq3A = arith.constant 0 : i32
    %eq3A_7 = vector.broadcast %eq3A : i32 to vector<1x1x1x2048xi32>
    %eq3A_8 = arith.cmpi eq, %reshape3A, %eq3A_7 : vector<1x1x1x2048xi32>
    %jit3A_9 = arith.constant -3.40282347E+38 : f32
    %broadcast_in_dim3A_10 = vector.shape_cast %eq3A_8 : vector<1x1x1x2048xi1> to vector<1x1x1x2048xi1>
    %broadcast_in_dim3A_11 = vector.broadcast %broadcast_in_dim3A_10 : vector<1x1x1x2048xi1> to vector<1x1x512x2048xi1>
    %broadcast_in_dim3A_12 = vector.broadcast %jit3A_9 : f32 to vector<1x1x512x2048xf32>
    %select_n3A_13 = arith.select %broadcast_in_dim3A_11, %broadcast_in_dim3A_12, %select_n3A : vector<1x1x512x2048xi1>, vector<1x1x512x2048xf32>
    %convert_element_type3A = arith.fptosi %select_n3A_13 : vector<1x1x512x2048xf32> to vector<1x1x512x2048xi32>
    %swap3A = arith.constant 0 : index
    %swap3A_14 = arith.constant 0 : index
    %swap3A_15 = arith.constant 0 : index
    %swap3A_16 = arith.constant 0 : index
    %swap3A_17 = vector.load %arg5[%swap3A, %swap3A_14, %swap3A_15, %swap3A_16] : memref<1x1x512x2048xi32, #tpu.memory_space<vmem>>, vector<1x1x512x2048xi32>
    tpu.vector_store %arg5[%swap3A, %swap3A_14, %swap3A_15, %swap3A_16], %convert_element_type3A {strides = array<i32>} : memref<1x1x512x2048xi32, #tpu.memory_space<vmem>>, vector<1x1x512x2048xi32>,
    %get3A_18 = arith.constant 0 : index
    %get3A_19 = arith.constant 0 : index
    %get3A_20 = vector.load %arg3[%get3A_18, %get3A_19] : memref<2x2048xi32, #tpu.memory_space<vmem>>, vector<2x2048xi32>
    %swap3A_21 = arith.constant 0 : index
    %swap3A_22 = arith.constant 0 : index
    %swap3A_23 = vector.load %arg6[%swap3A_21, %swap3A_22] : memref<2x2048xi32, #tpu.memory_space<vmem>>, vector<2x2048xi32>
    tpu.vector_store %arg6[%swap3A_21, %swap3A_22], %get3A_20 {strides = array<i32>} : memref<2x2048xi32, #tpu.memory_space<vmem>>, vector<2x2048xi32>,
    %get3A_24 = arith.constant 0 : index
    %get3A_25 = arith.constant 0 : index
    %get3A_26 = vector.load %arg4[%get3A_24, %get3A_25] : memref<2x2048xi32, #tpu.memory_space<vmem>>, vector<2x2048xi32>
    %swap3A_27 = arith.constant 0 : index
    %swap3A_28 = arith.constant 0 : index
    %swap3A_29 = vector.load %arg7[%swap3A_27, %swap3A_28] : memref<2x2048xi32, #tpu.memory_space<vmem>>, vector<2x2048xi32>
    tpu.vector_store %arg7[%swap3A_27, %swap3A_28], %get3A_26 {strides = array<i32>} : memref<2x2048xi32, #tpu.memory_space<vmem>>, vector<2x2048xi32>,
    return
  }
  func.func @transform_0(%arg0: i32, %arg1: i32) -> (i32, i32) {
    %c0_i32 = arith.constant 0 : i32
    %c0_i32_0 = arith.constant 0 : i32
    %c0_i32_1 = arith.constant 0 : i32
    return %c0_i32, %c0_i32_0 : i32, i32
  }
  func.func @transform_1(%arg0: i32, %arg1: i32) -> (i32, i32) {
    %c0_i32 = arith.constant 0 : i32
    %c0_i32_0 = arith.constant 0 : i32
    %c0_i32_1 = arith.constant 0 : i32
    return %c0_i32, %c0_i32_0 : i32, i32
  }
  func.func @transform_2(%arg0: i32, %arg1: i32) -> (i32, i32) {
    %c0_i32 = arith.constant 0 : i32
    %c0_i32_0 = arith.constant 0 : i32
    %c0_i32_1 = arith.constant 0 : i32
    return %c0_i32, %c0_i32_0 : i32, i32
  }
  func.func @transform_3(%arg0: i32, %arg1: i32) -> (i32, i32, i32, i32) {
    %c0_i32 = arith.constant 0 : i32
    %c0_i32_0 = arith.constant 0 : i32
    %c0_i32_1 = arith.constant 0 : i32
    return %arg0, %c0_i32, %arg1, %c0_i32_0 : i32, i32, i32, i32
  }
  func.func @transform_4(%arg0: i32, %arg1: i32) -> (i32, i32) {
    %c0_i32 = arith.constant 0 : i32
    %c0_i32_0 = arith.constant 0 : i32
    %c0_i32_1 = arith.constant 0 : i32
    return %c0_i32, %c0_i32_0 : i32, i32
  }
  func.func @transform_5(%arg0: i32, %arg1: i32) -> (i32, i32) {
    %c0_i32 = arith.constant 0 : i32
    %c0_i32_0 = arith.constant 0 : i32
    %c0_i32_1 = arith.constant 0 : i32
    return %c0_i32, %c0_i32_0 : i32, i32
  }
}

</mosaic_0001>

<sc_bundles>
// kernel: kernel.4.cloned.1.call-start
scs
__scs_entry_jumppad:
0x0: {  	(pc) =	sbr.rel $0x88, $3  }
0x1: {  	(tag) =	ssettag $0x0;
	lr =	simm.s32 $0x1  }
0x2: {  	[smem:$0x3F9C] =	sst lr;
	_ =	strace $0xD0000000  }
0x3: {  	_ = 	snop  }
0x4: {  	_ = 	snop  }
0x5: {  	_ = 	snop  }
0x6: {  	_ = 	snop  }
0x7: {  	_ = 	snop  }
__scs_overlays_trampoline_lowered:
0x8: {  	[smem:$0x3FAB] =	sst s0  }
0x9: {  	[smem:$0x3FAC] =	sst s1  }
0xa: {  	[smem:$0x3FAD] =	sst s2  }
0xb: {  	[smem:$0x3FAE] =	sst s3  }
0xc: {  	[smem:$0x3FAF] =	sst s4  }
0xd: {  	[smem:$0x3FB0] =	sst s5  }
0xe: {  	[smem:$0x3FB1] =	sst s6  }
0xf: {  	[smem:$0x3FB2] =	sst s7  }
0x10: {  	[smem:$0x3FB3] =	sst s8  }
0x11: {  	[smem:$0x3FB4] =	sst s9;
	s0 =	simm.s32 @!p0 $0x0  }
0x12: {  	s1 =	sld [smem:$0x3F9A];
	s0 =	simm.s32 @p0 $0x1  }
0x13: {  	[smem:$0x3FB5] =	sst s0;
	s0 =	simm.s32 @!p1 $0x0  }
0x14: {  	s2 =	sld [smem:$0x3F99];
	s0 =	simm.s32 @p1 $0x1  }
0x15: {  	[smem:$0x3FB6] =	sst s0;
	s0 =	simm.s32 @!p2 $0x0  }
0x16: {  	s3 =	sld [smem:$0x3FDB];
	s0 =	simm.s32 @p2 $0x1  }
0x17: {  	s4 =	simm.s32 $0x1BF5;
	[smem:$0x3FB8] =	sst s0  }
0x18: {  	s0 =	sld [smem:$0x3F9B];
	_ =	swait.ge [sflag:s4], $0x0  }
0x19: {  	s7 =	sld [smem:$0x3F9C]  }
0x1a: {  	s8 =	sadd.s32 $0xFFFFE003, lr  }
0x1b: {  	s9 =	sadd.s32 $0xFFFFFEF7, lr;
	s5 =	simm.s32 $0xFFFFFFFF;
	p2 =	slt.u32 s8, $0xFFFFF086  }
0x1c: {  	p1 =	slt.u32 s9, $0xF7A;
	s5 =	simm.s32 @!p2 $0x0  }
0x1d: {  	s5 =	simm.s32 @p1 $0x1;
	p0 =	seq.s32 s7, s2  }
0x1e: {  	s7 =	smul.u32 @!p0 $0xF7A, s2;
	p2 =	seq.s32 @!p0 s5, $0x0  }
0x1f: {  	s9 =	smul.u32 $0xF7A, s1;
	s8 =	simm.s32 @!p0 $0x1BF5;
	p2 =	por !p2, p0  }
0x20: {  	[sflag:s8] =	ssyncset.s32 @!p0 $0xFFFFF086;
	s6 =	sadd.s32 @!p0 s3, s7;
	s7 =	simm.s32 @!p0 $0x108  }
0x21: {  	s3 =	sadd.s32 s3, s9;
	s6 =	sadd.s32 @!p0 $0x88, s6;
	s7 =	simm.s32 @p2 $0x1082  }
0x22: {  	[simem:s7], [sflag:s8] =	dma.local @!p0 [hbm:s6], $0xF7A  }
0x23: {  	s9 =	sor.u32 $0xD0000000, s2;
	s6 =	simm.s32 $0x108;
	_ =	swait.ge @!p0 [sflag:s8], $0x0  }
0x24: {  	s3 =	sadd.s32 $0x88, s3;
	s6 =	simm.s32 @!p1 $0x1082;
	[sflag:s4] =	ssyncset.s32 $0xFFFFF086  }
0x25: {  	[simem:s6], [sflag:s4] =	dma.local [hbm:s3], $0xF7A  }
0x26: {  	[smem:$0x3F9C] =	sst s1;
	(tag) =	ssettag s2;
	_ =	strace s9  }
0x27: {  	s1 =	sld [smem:$0x3FAC]  }
0x28: {  	s2 =	sld [smem:$0x3FAD]  }
0x29: {  	s4 =	sld [smem:$0x3FAF]  }
0x2a: {  	p0 =	seq.s32 s5, $0x0;
	s5 =	sld [smem:$0x3FB0]  }
0x2b: {  	s6 =	sld [smem:$0x3FB1]  }
0x2c: {  	s7 =	sld [smem:$0x3FB2]  }
0x2d: {  	s3 =	simm.s32 $0x108;
	s8 =	sld [smem:$0x3FB3]  }
0x2e: {  	s3 =	simm.s32 @!p0 $0x1082;
	s9 =	sld [smem:$0x3FB4]  }
0x2f: {  	lr =	sadd.s32 s0, s3;
	s0 =	sld [smem:$0x3FAB]  }
0x30: {  	s3 =	sld [smem:$0x3FAE]  }
0x31: {  	[smem:$0x3FB7] =	sst s10  }
0x32: {  	s10 =	sld [smem:$0x3FB5];
	_ =	sdelay $0x3  }
0x33: {  	p0 =	seq.s32 s10, $0x1;
	s10 =	sld [smem:$0x3FB7];
	_ =	sdelay $0x3  }
0x34: {  	[smem:$0x3FB7] =	sst s10  }
0x35: {  	s10 =	sld [smem:$0x3FB6];
	_ =	sdelay $0x3  }
0x36: {  	p1 =	seq.s32 s10, $0x1;
	s10 =	sld [smem:$0x3FB7];
	_ =	sdelay $0x3  }
0x37: {  	[smem:$0x3FB7] =	sst s10  }
0x38: {  	s10 =	sld [smem:$0x3FB8]  }
0x39: {  	_ = 	snop;
	(pc) =	sbr.ind lr, $3  }
0x3a: {  	_ = 	snop  }
0x3b: {  	_ = 	snop  }
0x3c: {  	p2 =	seq.s32 s10, $0x1;
	s10 =	sld [smem:$0x3FB7]  }
0x3d: {  	_ =	shalt  }
0x3e: {  	_ =	shalt  }
0x3f: {  	_ =	shalt  }
0x40: {  	_ =	shalt  }
0x41: {  	_ =	shalt  }
0x42: {  	_ =	shalt  }
0x43: {  	_ =	shalt  }
0x44: {  	_ =	shalt  }
0x45: {  	_ =	shalt  }
0x46: {  	_ =	shalt  }
0x47: {  	_ =	shalt  }
0x48: {  	_ =	shalt  }
0x49: {  	_ =	shalt  }
0x4a: {  	_ =	shalt  }
0x4b: {  	_ =	shalt  }
0x4c: {  	_ =	shalt  }
0x4d: {  	_ =	shalt  }
0x4e: {  	_ =	shalt  }
0x4f: {  	_ =	shalt  }
0x50: {  	_ =	shalt  }
0x51: {  	_ =	shalt  }
0x52: {  	_ =	shalt  }
0x53: {  	_ =	shalt  }
0x54: {  	_ =	shalt  }
0x55: {  	_ =	shalt  }
0x56: {  	_ =	shalt  }
0x57: {  	_ =	shalt  }
0x58: {  	_ =	shalt  }
0x59: {  	_ =	shalt  }
0x5a: {  	_ =	shalt  }
0x5b: {  	_ =	shalt  }
0x5c: {  	_ =	shalt  }
0x5d: {  	_ =	shalt  }
0x5e: {  	_ =	shalt  }
0x5f: {  	_ =	shalt  }
0x60: {  	_ =	shalt  }
0x61: {  	_ =	shalt  }
0x62: {  	_ =	shalt  }
0x63: {  	_ =	shalt  }
0x64: {  	_ =	shalt  }
0x65: {  	_ =	shalt  }
0x66: {  	_ =	shalt  }
0x67: {  	_ =	shalt  }
0x68: {  	_ =	shalt  }
0x69: {  	_ =	shalt  }
0x6a: {  	_ =	shalt  }
0x6b: {  	_ =	shalt  }
0x6c: {  	_ =	shalt  }
0x6d: {  	_ =	shalt  }
0x6e: {  	_ =	shalt  }
0x6f: {  	_ =	shalt  }
0x70: {  	_ =	shalt  }
0x71: {  	_ =	shalt  }
0x72: {  	_ =	shalt  }
0x73: {  	_ =	shalt  }
0x74: {  	_ =	shalt  }
0x75: {  	_ =	shalt  }
0x76: {  	_ =	shalt  }
0x77: {  	_ =	shalt  }
0x78: {  	_ =	shalt  }
0x79: {  	_ =	shalt  }
0x7a: {  	_ =	shalt  }
0x7b: {  	_ =	shalt  }
0x7c: {  	_ =	shalt  }
0x7d: {  	_ =	shalt  }
0x7e: {  	_ =	shalt  }
0x7f: {  	_ =	shalt  }
0x80: {  	_ =	shalt  }
0x81: {  	_ =	shalt  }
0x82: {  	_ =	shalt  }
0x83: {  	_ =	shalt  }
0x84: {  	_ =	shalt  }
0x85: {  	_ =	shalt  }
0x86: {  	_ =	shalt  }
0x87: {  	_ =	shalt  }
.Lfunc_end0:
.L_simem_size_0:
called_computation_lowered:
.L_overlay_start_0:
0x88: {  	s2 =	sld [smem:$0x3FD9]  }
0x89: {  	s3 =	sld [smem:$0x3FFE];
	_ =	sdelay $0x1  }
0x8a: {  	s1 =	srdreg.scid  }
0x8b: {  	s0 =	sand.u32 $0x1, s1  }
0x8c: {  	s15 =	sshll.u32 s0, $0xA;
	s2 =	sadd.s32 s3, s2  }
0x8d: {  	s2 =	sadd.s32 s2, s15  }
0x8e: {  	[smem:$0x3FC3] =	sst s2  }
0x8f: {  	_ = 	snop  }
0x90: {  	s2 =	sld [smem:$0x3FD0];
	_ =	sdelay $0x1  }
0x91: {  	s16 =	sld [smem:$0x3FC9]  }
0x92: {  	s5 =	simm.s32 $0xA;
	s6 =	simm.s32 $0x10;
	s4 =	sld [smem:$0x3FC5]  }
0x93: {  	[smem:s6], [sflag:s5] =	dma.local [hbm:s2], $0x1  }
0x94: {  	_ =	swait.eq [sflag:s5], $0x1  }
0x95: {  	[sflag:s5] =	ssyncset.done $0x0  }
0x96: {  	[sflag:s5] =	ssyncadd.s32 $0xFFFFFFFF  }
0x97: {  	s17 =	sld [smem:$0x10];
	(tm) =	ssettm $0x1  }
0x98: {  	s18 =	sld [smem:$0x3FFB];
	_ =	sdelay $0x3  }
0x99: {  	_ =	strace s18  }
0x9a: {  	s5 =	sld [smem:$0x3FFC];
	_ =	sdelay $0x3  }
0x9b: {  	_ =	strace s5  }
0x9c: {  	s5 =	sld [smem:$0x3FFD];
	_ =	sdelay $0x3  }
0x9d: {  	_ =	strace s5  }
0x9e: {  	_ =	strace $0x8FFFFFFF  }
0x9f: {  	s19 =	sld [smem:$0x3FDB];
	_ =	sdelay $0x1  }
0xa0: {  	s20 =	simm.s32 $_scs_section_size  }
0xa1: {  	s7 =	simm.s32 $_size__tile_overlayer_lowered;
	s8 =	simm.s32 $_tile_overlayer_lowered  }
0xa2: {  	s23 =	simm.s32 $0x1BFF;
	s22 =	sshll.u32 s8, $0x1;
	s5 =	sadd.s32 s20, s19  }
0xa3: {  	s9 =	simm.s32 $0x0;
	s21 =	sshll.u32 s7, $0x1;
	s7 =	sadd.s32 s22, s5  }
0xa4: {  	[timem:s9], [sflag:s23] =	dma.local [hbm:s7], s21  }
0xa5: {  	_ =	swait.ge [sflag:s23], s21  }
0xa6: {  	s6 =	ssub.s32 $0x0, s21;
	[sflag:s23] =	ssyncset.done $0x0  }
0xa7: {  	[sflag:s23] =	ssyncadd.s32 s6;
	_ =	sdelay $0x1  }
0xa8: {  	s24 =	simm.s32 $0x1B8B  }
0xa9: {  	_ =	swait.ge [sflag:s24], $0x1  }
0xaa: {  	[sflag:s24] =	ssyncset.done $0x0  }
0xab: {  	s25 =	simm.s32 $0x1B8E;
	[sflag:s24] =	ssyncadd.s32 $0xFFFFFFFF  }
0xac: {  	s26 =	simm.s32 $execute0_lowered;
	[smem:$0x3FD2] =	sst s25  }
0xad: {  	s6 =	sshll.u32 s26, $0x1;
	_ =	strace $0x80000046;
	[dreg:$0x1] =	wrdreg $0xFFFFFFFF  }
0xae: {  	s28 =	simm.s32 $_size_execute0_lowered;
	s5 =	sadd.s32 s5, s6;
	[dreg:$0x0] =	wrdreg $0x0  }
0xaf: {  	s6 =	sshll.u32 s28, $0x1;
	[dreg:$0x2] =	wrdreg s5  }
0xb0: {  	[dreg:$0x3] =	wrdreg s6  }
0xb1: {  	[dreg:$0x4] =	wrdreg $0xC0  }
0xb2: {  	_ =	task [dreg:s9], $0x5FFFF  }
0xb3: {  	[dreg:$0x1] =	wrdreg $0xFFFFFFFF  }
0xb4: {  	[dreg:$0x0] =	wrdreg $0x60  }
0xb5: {  	[dreg:$0x2] =	wrdreg s4  }
0xb6: {  	[dreg:$0x3] =	wrdreg s16  }
0xb7: {  	[dreg:$0x4] =	wrdreg s17  }
0xb8: {  	[dreg:$0x5] =	wrdreg $0x9  }
0xb9: {  	_ =	task.clear_ibuf [dreg:s9], $0x6FFFF;
	_ =	strace $0x90000046  }
0xba: {  	s29 =	simm.s32 $0x9;
	_ =	strace $0x80000048  }
0xbb: {  	_ =	swait.ge [sflag:s29], $0x1  }
0xbc: {  	[sflag:s29] =	ssyncadd.s32 $0xFFFFFFFF  }
0xbd: {  	_ =	strace $0x90000048  }
0xbe: {  	_ =	sfence  }
0xbf: {  	s30 =	sld [smem:$0x0];
	_ =	sdelay $0x2  }
0xc0: {  	s31 =	sshll.u32 s1, $0xD;
	s1 =	sshrl.u32 s1, $0x2  }
0xc1: {  	s3 =	sand.u32 $0x4000, s31;
	s1 =	sadd.s32 s1, s30  }
0xc2: {  	s0 =	sor.u32 s3, s0;
	s1 =	sshll.u32 s1, $0x11  }
0xc3: {  	s0 =	sor.u32 s1, s0  }
0xc4: {  	s0 =	sadd.s32 $0x8F2B, s0  }
0xc5: {  	[sflag:s0] =	ssyncadd.remote.s32 $0x1  }
0xc6: {  	_ =	sfence.sel $0xFFFF  }
0xc7: {  	[dreg:$0x0] =	wrdreg $0xFFFFFFFF;
	(pc) =	sbr.abs _section_cstart, $3  }
0xc8: {  	[dreg:$0x1] =	wrdreg $0xFFFFFFFF  }
0xc9: {  	_ =	task.clear_ibuf [dreg:s9], $0x2FFFF;
	_ =	strace $0x9FFFFFFF  }
0xca: {  	(tm) =	ssettm $0x7FFFFFFF  }
0xcb: {  	_ =	shalt  }
tec
execute0_lowered:
.L_overlay_start_1:
0x0: {  	(tag) =	ssettag $0x1  }
0x1: {  	s1 =	rddreg [dreg:$0x0]  }
0x2: {  	s0 =	rddreg [dreg:$0x1]  }
0x3: {  	s2 =	rddreg [dreg:$0x2];
	s3 =	simm.s32 $0x0  }
0x4: {  	s7 =	stileid.u32;
	s4 =	srdreg.scid;
	s19 =	simm.s32 $0x1  }
0x5: {  	s21 =	simm.s32 $0x880;
	s22 =	simm.s32 $0x1080;
	s28 =	simm.s32 $0x3880  }
0x6: {  	s29 =	simm.s32 $0x4080;
	s30 =	simm.s32 $0x4880;
	s31 =	simm.s32 $0x5080  }
0x7: {  	s11 =	simm.s32 $0x6880;
	s12 =	simm.s32 $0x7080;
	s13 =	simm.s32 $0x7880  }
0x8: {  	s14 =	simm.s32 $0x8880;
	s15 =	simm.s32 $0x9080;
	s16 =	simm.s32 $0x9880  }
0x9: {  	s17 =	simm.s32 $0xA080;
	s18 =	simm.s32 $0xA880;
	s10 =	simm.s32 $0xB080  }
0xa: {  	[smem:$0x7FF] =	sst s3;
	s5 =	sshll.u32 s7, $0x1;
	s4 =	sand.u32 $0x1, s4  }
0xb: {  	s23 =	sshrl.u32 s7, $0x3;
	s7 =	sadd.s32 $0x300, s1;
	_ =	strace $0x80000047  }
0xc: {  	s5 =	sand.u32 $0xE, s5;
	s6 =	ssub.s32 $0x2, s4;
	s9 =	sshll.u32 s23, $0x4  }
0xd: {  	s4 =	sor.u32 s4, s5;
	s24 =	sshrl.u32 s6, $0x1;
	s0 =	sadd.s32 s0, s9  }
0xe: {  	s5 =	sshll.u32 s23, $0x12;
	s9 =	simm.s32 $0x2;
	s23 =	simm.s32 $0x1880  }
0xf: {  	s8 =	sshll.u32 s4, $0xE;
	s4 =	sshll.u32 s4, $0x5;
	s25 =	ssub.s32 s6, s24  }
0x10: {  	s6 =	sadd.s32 $0x200, s1;
	s24 =	simm.s32 $0x2080;
	s0 =	sadd.s32 s4, s0  }
0x11: {  	s5 =	sor.u32 s5, s8;
	s4 =	sadd.s32 $0x100, s1;
	s8 =	smax.u32 s25, $0x1  }
0x12: {  	v2 =	vlaneseq.u32;
	s25 =	simm.s32 $0x2880;
	[dreg:$0x4] =	wrdreg s0;
	s26 =	sadd.s32 s2, s5  }
0x13: {  	vm0 =	vmmov $0xffff;
	v1 =	vshrl.u32 v2, $0x3;
	s5 =	simm.s32 $0x8080;
	[dreg:$0x6] =	wrdreg s26;
	s0 =	sadd.s32 $0x2000, s26  }
0x14: {  	v0 =	vand.u32 $0x7, v2;
	v2 =	vor.u32 $0x8, v2;
	v1 =	vmul.u32 $0x8, v1;
	s26 =	simm.s32 $0x3080;
	[dreg:$0x5] =	wrdreg s0;
	s0 =	simm.s32 $0x80  }
.LBB2_1:
0x15: {  	s20 =	rddreg [dreg:$0x4]  }
0x16: {  	[tilespmem:s3], [sflag:$0x2] =	stream.linear.gather [hbm4b:s20+s3], $0x80, $0x38;
	[tilespmem:$0x10080] =	vst v63  }
0x17: {  	_ =	swait.ge [sflag:s9], $0x80  }
0x18: {  	[sflag:s9] =	ssyncset.done $0x0  }
0x19: {  	[sflag:s9] =	ssyncadd.s32 $0xFFFFFF80  }
0x1a: {  	v3 =	vld [tilespmem:$0x0];
	_ =	sdelay $0x4  }
0x1b: {  	v4 =	vshll.u32 v3, $0x3  }
0x1c: {  	v3 =	vand.u32 $0x7, v3;
	v4 =	vand.u32 $0xFFFFFFC0, v4  }
0x1d: {  	v3 =	vor.u32 v3, v4  }
0x1e: {  	v4 =	vperm.xlane v3, v0;
	_ =	sdelay $0x1  }
0x1f: {  	v4 =	vadd.s32 v1, v4;
	_ =	sdelay $0x4  }
0x20: {  	[tilespmem:s0], [sflag:$0x1] =	stream.indirect_vreg.gather [hbm4b:s1+s3], $0x80, v4, vm0, $0xb8;
	[tilespmem:$0x10080] =	vst v63  }
0x21: {  	v3 =	vperm.xlane v3, v2  }
0x22: {  	[tilespmem:s21], [sflag:$0x1] =	stream.indirect_vreg.gather [hbm4b:s4+s3], $0x80, v4, vm0, $0xb8;
	[tilespmem:$0x10080] =	vst v63  }
0x23: {  	v3 =	vadd.s32 v1, v3  }
0x24: {  	[tilespmem:s22], [sflag:$0x1] =	stream.indirect_vreg.gather [hbm4b:s6+s3], $0x80, v4, vm0, $0xb8;
	[tilespmem:$0x10080] =	vst v63  }
0x25: {  	_ = 	snop  }
0x26: {  	[tilespmem:s23], [sflag:$0x1] =	stream.indirect_vreg.gather [hbm4b:s7+s3], $0x80, v4, vm0, $0xb8;
	[tilespmem:$0x10080] =	vst v63  }
0x27: {  	_ = 	snop  }
0x28: {  	[tilespmem:s24], [sflag:$0x1] =	stream.indirect_vreg.gather [hbm4b:s1+s3], $0x80, v3, vm0, $0xb8;
	[tilespmem:$0x10080] =	vst v63  }
0x29: {  	_ = 	snop  }
0x2a: {  	[tilespmem:s25], [sflag:$0x1] =	stream.indirect_vreg.gather [hbm4b:s4+s3], $0x80, v3, vm0, $0xb8;
	[tilespmem:$0x10080] =	vst v63  }
0x2b: {  	_ = 	snop  }
0x2c: {  	[tilespmem:s26], [sflag:$0x1] =	stream.indirect_vreg.gather [hbm4b:s6+s3], $0x80, v3, vm0, $0xb8;
	[tilespmem:$0x10080] =	vst v63  }
0x2d: {  	_ = 	snop  }
0x2e: {  	[tilespmem:s28], [sflag:$0x1] =	stream.indirect_vreg.gather [hbm4b:s7+s3], $0x80, v3, vm0, $0xb8;
	[tilespmem:$0x10080] =	vst v63  }
0x2f: {  	v3 =	vld [tilespmem:$0x10];
	_ =	sdelay $0x4  }
0x30: {  	v57 =	vshll.u32 v3, $0x3  }
0x31: {  	v3 =	vand.u32 $0x7, v3;
	v4 =	vand.u32 $0xFFFFFFC0, v57  }
0x32: {  	v3 =	vor.u32 v3, v4  }
0x33: {  	v4 =	vperm.xlane v3, v0;
	_ =	sdelay $0x1  }
0x34: {  	v4 =	vadd.s32 v1, v4;
	_ =	sdelay $0x4  }
0x35: {  	[tilespmem:s29], [sflag:$0x1] =	stream.indirect_vreg.gather [hbm4b:s1+s3], $0x80, v4, vm0, $0xb8;
	[tilespmem:$0x10080] =	vst v63  }
0x36: {  	v3 =	vperm.xlane v3, v2  }
0x37: {  	[tilespmem:s30], [sflag:$0x1] =	stream.indirect_vreg.gather [hbm4b:s4+s3], $0x80, v4, vm0, $0xb8;
	[tilespmem:$0x10080] =	vst v63  }
0x38: {  	v3 =	vadd.s32 v1, v3  }
0x39: {  	[tilespmem:s31], [sflag:$0x1] =	stream.indirect_vreg.gather [hbm4b:s6+s3], $0x80, v4, vm0, $0xb8;
	[tilespmem:$0x10080] =	vst v63  }
0x3a: {  	s2 =	simm.s32 $0x5880  }
0x3b: {  	[tilespmem:s2], [sflag:$0x1] =	stream.indirect_vreg.gather [hbm4b:s7+s3], $0x80, v4, vm0, $0xb8;
	[tilespmem:$0x10080] =	vst v63  }
0x3c: {  	s2 =	simm.s32 $0x6080  }
0x3d: {  	[tilespmem:s2], [sflag:$0x1] =	stream.indirect_vreg.gather [hbm4b:s1+s3], $0x80, v3, vm0, $0xb8;
	[tilespmem:$0x10080] =	vst v63  }
0x3e: {  	_ = 	snop  }
0x3f: {  	[tilespmem:s11], [sflag:$0x1] =	stream.indirect_vreg.gather [hbm4b:s4+s3], $0x80, v3, vm0, $0xb8;
	[tilespmem:$0x10080] =	vst v63  }
0x40: {  	_ = 	snop  }
0x41: {  	[tilespmem:s12], [sflag:$0x1] =	stream.indirect_vreg.gather [hbm4b:s6+s3], $0x80, v3, vm0, $0xb8;
	[tilespmem:$0x10080] =	vst v63  }
0x42: {  	_ = 	snop  }
0x43: {  	[tilespmem:s13], [sflag:$0x1] =	stream.indirect_vreg.gather [hbm4b:s7+s3], $0x80, v3, vm0, $0xb8;
	[tilespmem:$0x10080] =	vst v63  }
0x44: {  	v3 =	vld [tilespmem:$0x20];
	_ =	sdelay $0x4  }
0x45: {  	v58 =	vshll.u32 v3, $0x3  }
0x46: {  	v3 =	vand.u32 $0x7, v3;
	v4 =	vand.u32 $0xFFFFFFC0, v58  }
0x47: {  	v3 =	vor.u32 v3, v4  }
0x48: {  	v4 =	vperm.xlane v3, v0;
	_ =	sdelay $0x1  }
0x49: {  	v4 =	vadd.s32 v1, v4;
	_ =	sdelay $0x4  }
0x4a: {  	[tilespmem:s5], [sflag:$0x1] =	stream.indirect_vreg.gather [hbm4b:s1+s3], $0x80, v4, vm0, $0xb8;
	[tilespmem:$0x10080] =	vst v63  }
0x4b: {  	v3 =	vperm.xlane v3, v2  }
0x4c: {  	[tilespmem:s14], [sflag:$0x1] =	stream.indirect_vreg.gather [hbm4b:s4+s3], $0x80, v4, vm0, $0xb8;
	[tilespmem:$0x10080] =	vst v63  }
0x4d: {  	v3 =	vadd.s32 v1, v3  }
0x4e: {  	[tilespmem:s15], [sflag:$0x1] =	stream.indirect_vreg.gather [hbm4b:s6+s3], $0x80, v4, vm0, $0xb8;
	[tilespmem:$0x10080] =	vst v63  }
0x4f: {  	_ = 	snop  }
0x50: {  	[tilespmem:s16], [sflag:$0x1] =	stream.indirect_vreg.gather [hbm4b:s7+s3], $0x80, v4, vm0, $0xb8;
	[tilespmem:$0x10080] =	vst v63  }
0x51: {  	_ = 	snop  }
0x52: {  	[tilespmem:s17], [sflag:$0x1] =	stream.indirect_vreg.gather [hbm4b:s1+s3], $0x80, v3, vm0, $0xb8;
	[tilespmem:$0x10080] =	vst v63  }
0x53: {  	_ = 	snop  }
0x54: {  	[tilespmem:s18], [sflag:$0x1] =	stream.indirect_vreg.gather [hbm4b:s4+s3], $0x80, v3, vm0, $0xb8;
	[tilespmem:$0x10080] =	vst v63  }
0x55: {  	_ = 	snop  }
0x56: {  	[tilespmem:s10], [sflag:$0x1] =	stream.indirect_vreg.gather [hbm4b:s6+s3], $0x80, v3, vm0, $0xb8;
	[tilespmem:$0x10080] =	vst v63  }
0x57: {  	s20 =	simm.s32 $0xB880  }
0x58: {  	[tilespmem:s20], [sflag:$0x1] =	stream.indirect_vreg.gather [hbm4b:s7+s3], $0x80, v3, vm0, $0xb8;
	[tilespmem:$0x10080] =	vst v63  }
0x59: {  	v3 =	vld [tilespmem:$0x30];
	_ =	sdelay $0x4  }
0x5a: {  	v59 =	vshll.u32 v3, $0x3  }
0x5b: {  	v3 =	vand.u32 $0x7, v3;
	v4 =	vand.u32 $0xFFFFFFC0, v59  }
0x5c: {  	v3 =	vor.u32 v3, v4  }
0x5d: {  	v4 =	vperm.xlane v3, v0;
	_ =	sdelay $0x1  }
0x5e: {  	v4 =	vadd.s32 v1, v4;
	_ =	sdelay $0x3  }
0x5f: {  	s20 =	simm.s32 $0xC080  }
0x60: {  	[tilespmem:s20], [sflag:$0x1] =	stream.indirect_vreg.gather [hbm4b:s1+s3], $0x80, v4, vm0, $0xb8;
	[tilespmem:$0x10080] =	vst v63  }
0x61: {  	v3 =	vperm.xlane v3, v2;
	s20 =	simm.s32 $0xC880  }
0x62: {  	[tilespmem:s20], [sflag:$0x1] =	stream.indirect_vreg.gather [hbm4b:s4+s3], $0x80, v4, vm0, $0xb8;
	[tilespmem:$0x10080] =	vst v63  }
0x63: {  	v3 =	vadd.s32 v1, v3;
	s20 =	simm.s32 $0xD080  }
0x64: {  	[tilespmem:s20], [sflag:$0x1] =	stream.indirect_vreg.gather [hbm4b:s6+s3], $0x80, v4, vm0, $0xb8;
	[tilespmem:$0x10080] =	vst v63  }
0x65: {  	s20 =	simm.s32 $0xD880  }
0x66: {  	[tilespmem:s20], [sflag:$0x1] =	stream.indirect_vreg.gather [hbm4b:s7+s3], $0x80, v4, vm0, $0xb8;
	[tilespmem:$0x10080] =	vst v63  }
0x67: {  	s20 =	simm.s32 $0xE080  }
0x68: {  	[tilespmem:s20], [sflag:$0x1] =	stream.indirect_vreg.gather [hbm4b:s1+s3], $0x80, v3, vm0, $0xb8;
	[tilespmem:$0x10080] =	vst v63  }
0x69: {  	s20 =	simm.s32 $0xE880  }
0x6a: {  	[tilespmem:s20], [sflag:$0x1] =	stream.indirect_vreg.gather [hbm4b:s4+s3], $0x80, v3, vm0, $0xb8;
	[tilespmem:$0x10080] =	vst v63  }
0x6b: {  	s20 =	simm.s32 $0xF080  }
0x6c: {  	[tilespmem:s20], [sflag:$0x1] =	stream.indirect_vreg.gather [hbm4b:s6+s3], $0x80, v3, vm0, $0xb8;
	[tilespmem:$0x10080] =	vst v63  }
0x6d: {  	s20 =	simm.s32 $0xF880  }
0x6e: {  	[tilespmem:s20], [sflag:$0x1] =	stream.indirect_vreg.gather [hbm4b:s7+s3], $0x80, v3, vm0, $0xb8;
	[tilespmem:$0x10080] =	vst v63  }
0x6f: {  	_ =	swait.ge [sflag:s19], $0x10000  }
0x70: {  	[sflag:s19] =	ssyncset.done $0x0  }
0x71: {  	s20 =	rddreg [dreg:$0x6];
	[sflag:s19] =	ssyncadd.s32 $0xFFFF0000  }
0x72: {  	[hbm4b:s20+s3] =	stream.linear.scatter [tilespmem:s0], [sflag:$0x2], $0x10000, $0x38;
	[tilespmem:$0x10080] =	vst v63  }
0x73: {  	_ =	swait.ge [sflag:s9], $0x10000  }
0x74: {  	[sflag:s9] =	ssyncset.done $0x0  }
0x75: {  	[sflag:s9] =	ssyncadd.s32 $0xFFFF0000  }
0x76: {  	v3 =	vld [tilespmem:$0x40];
	_ =	sdelay $0x4  }
0x77: {  	v60 =	vshll.u32 v3, $0x3  }
0x78: {  	v3 =	vand.u32 $0x7, v3;
	v4 =	vand.u32 $0xFFFFFFC0, v60  }
0x79: {  	v3 =	vor.u32 v3, v4  }
0x7a: {  	v4 =	vperm.xlane v3, v0;
	_ =	sdelay $0x1  }
0x7b: {  	v4 =	vadd.s32 v1, v4;
	_ =	sdelay $0x4  }
0x7c: {  	[tilespmem:s0], [sflag:$0x1] =	stream.indirect_vreg.gather [hbm4b:s1+s3], $0x80, v4, vm0, $0xb8;
	[tilespmem:$0x10080] =	vst v63  }
0x7d: {  	v3 =	vperm.xlane v3, v2  }
0x7e: {  	[tilespmem:s21], [sflag:$0x1] =	stream.indirect_vreg.gather [hbm4b:s4+s3], $0x80, v4, vm0, $0xb8;
	[tilespmem:$0x10080] =	vst v63  }
0x7f: {  	v3 =	vadd.s32 v1, v3  }
0x80: {  	[tilespmem:s22], [sflag:$0x1] =	stream.indirect_vreg.gather [hbm4b:s6+s3], $0x80, v4, vm0, $0xb8;
	[tilespmem:$0x10080] =	vst v63  }
0x81: {  	_ = 	snop  }
0x82: {  	[tilespmem:s23], [sflag:$0x1] =	stream.indirect_vreg.gather [hbm4b:s7+s3], $0x80, v4, vm0, $0xb8;
	[tilespmem:$0x10080] =	vst v63  }
0x83: {  	_ = 	snop  }
0x84: {  	[tilespmem:s24], [sflag:$0x1] =	stream.indirect_vreg.gather [hbm4b:s1+s3], $0x80, v3, vm0, $0xb8;
	[tilespmem:$0x10080] =	vst v63  }
0x85: {  	_ = 	snop  }
0x86: {  	[tilespmem:s25], [sflag:$0x1] =	stream.indirect_vreg.gather [hbm4b:s4+s3], $0x80, v3, vm0, $0xb8;
	[tilespmem:$0x10080] =	vst v63  }
0x87: {  	_ = 	snop  }
0x88: {  	[tilespmem:s26], [sflag:$0x1] =	stream.indirect_vreg.gather [hbm4b:s6+s3], $0x80, v3, vm0, $0xb8;
	[tilespmem:$0x10080] =	vst v63  }
0x89: {  	_ = 	snop  }
0x8a: {  	[tilespmem:s28], [sflag:$0x1] =	stream.indirect_vreg.gather [hbm4b:s7+s3], $0x80, v3, vm0, $0xb8;
	[tilespmem:$0x10080] =	vst v63  }
0x8b: {  	v3 =	vld [tilespmem:$0x50];
	_ =	sdelay $0x4  }
0x8c: {  	v61 =	vshll.u32 v3, $0x3  }
0x8d: {  	v3 =	vand.u32 $0x7, v3;
	v4 =	vand.u32 $0xFFFFFFC0, v61  }
0x8e: {  	v3 =	vor.u32 v3, v4  }
0x8f: {  	v4 =	vperm.xlane v3, v0;
	_ =	sdelay $0x1  }
0x90: {  	v4 =	vadd.s32 v1, v4;
	_ =	sdelay $0x4  }
0x91: {  	[tilespmem:s29], [sflag:$0x1] =	stream.indirect_vreg.gather [hbm4b:s1+s3], $0x80, v4, vm0, $0xb8;
	[tilespmem:$0x10080] =	vst v63  }
0x92: {  	v3 =	vperm.xlane v3, v2  }
0x93: {  	[tilespmem:s30], [sflag:$0x1] =	stream.indirect_vreg.gather [hbm4b:s4+s3], $0x80, v4, vm0, $0xb8;
	[tilespmem:$0x10080] =	vst v63  }
0x94: {  	v3 =	vadd.s32 v1, v3  }
0x95: {  	[tilespmem:s31], [sflag:$0x1] =	stream.indirect_vreg.gather [hbm4b:s6+s3], $0x80, v4, vm0, $0xb8;
	[tilespmem:$0x10080] =	vst v63  }
0x96: {  	s20 =	simm.s32 $0x5880  }
0x97: {  	[tilespmem:s20], [sflag:$0x1] =	stream.indirect_vreg.gather [hbm4b:s7+s3], $0x80, v4, vm0, $0xb8;
	[tilespmem:$0x10080] =	vst v63  }
0x98: {  	_ = 	snop  }
0x99: {  	[tilespmem:s2], [sflag:$0x1] =	stream.indirect_vreg.gather [hbm4b:s1+s3], $0x80, v3, vm0, $0xb8;
	[tilespmem:$0x10080] =	vst v63  }
0x9a: {  	_ = 	snop  }
0x9b: {  	[tilespmem:s11], [sflag:$0x1] =	stream.indirect_vreg.gather [hbm4b:s4+s3], $0x80, v3, vm0, $0xb8;
	[tilespmem:$0x10080] =	vst v63  }
0x9c: {  	_ = 	snop  }
0x9d: {  	[tilespmem:s12], [sflag:$0x1] =	stream.indirect_vreg.gather [hbm4b:s6+s3], $0x80, v3, vm0, $0xb8;
	[tilespmem:$0x10080] =	vst v63  }
0x9e: {  	_ = 	snop  }
0x9f: {  	[tilespmem:s13], [sflag:$0x1] =	stream.indirect_vreg.gather [hbm4b:s7+s3], $0x80, v3, vm0, $0xb8;
	[tilespmem:$0x10080] =	vst v63  }
0xa0: {  	v3 =	vld [tilespmem:$0x60];
	_ =	sdelay $0x4  }
0xa1: {  	v62 =	vshll.u32 v3, $0x3  }
0xa2: {  	v3 =	vand.u32 $0x7, v3;
	v4 =	vand.u32 $0xFFFFFFC0, v62  }
0xa3: {  	v3 =	vor.u32 v3, v4  }
0xa4: {  	v4 =	vperm.xlane v3, v0;
	_ =	sdelay $0x1  }
0xa5: {  	v4 =	vadd.s32 v1, v4;
	_ =	sdelay $0x4  }
0xa6: {  	[tilespmem:s5], [sflag:$0x1] =	stream.indirect_vreg.gather [hbm4b:s1+s3], $0x80, v4, vm0, $0xb8;
	[tilespmem:$0x10080] =	vst v63  }
0xa7: {  	v3 =	vperm.xlane v3, v2  }
0xa8: {  	[tilespmem:s14], [sflag:$0x1] =	stream.indirect_vreg.gather [hbm4b:s4+s3], $0x80, v4, vm0, $0xb8;
	[tilespmem:$0x10080] =	vst v63  }
0xa9: {  	v3 =	vadd.s32 v1, v3  }
0xaa: {  	[tilespmem:s15], [sflag:$0x1] =	stream.indirect_vreg.gather [hbm4b:s6+s3], $0x80, v4, vm0, $0xb8;
	[tilespmem:$0x10080] =	vst v63  }
0xab: {  	_ = 	snop  }
0xac: {  	[tilespmem:s16], [sflag:$0x1] =	stream.indirect_vreg.gather [hbm4b:s7+s3], $0x80, v4, vm0, $0xb8;
	[tilespmem:$0x10080] =	vst v63  }
0xad: {  	_ = 	snop  }
0xae: {  	[tilespmem:s17], [sflag:$0x1] =	stream.indirect_vreg.gather [hbm4b:s1+s3], $0x80, v3, vm0, $0xb8;
	[tilespmem:$0x10080] =	vst v63  }
0xaf: {  	_ = 	snop  }
0xb0: {  	[tilespmem:s18], [sflag:$0x1] =	stream.indirect_vreg.gather [hbm4b:s4+s3], $0x80, v3, vm0, $0xb8;
	[tilespmem:$0x10080] =	vst v63  }
0xb1: {  	_ = 	snop  }
0xb2: {  	[tilespmem:s10], [sflag:$0x1] =	stream.indirect_vreg.gather [hbm4b:s6+s3], $0x80, v3, vm0, $0xb8;
	[tilespmem:$0x10080] =	vst v63  }
0xb3: {  	s20 =	simm.s32 $0xB880  }
0xb4: {  	[tilespmem:s20], [sflag:$0x1] =	stream.indirect_vreg.gather [hbm4b:s7+s3], $0x80, v3, vm0, $0xb8;
	[tilespmem:$0x10080] =	vst v63  }
0xb5: {  	v3 =	vld [tilespmem:$0x70];
	_ =	sdelay $0x4  }
0xb6: {  	v63 =	vshll.u32 v3, $0x3  }
0xb7: {  	v3 =	vand.u32 $0x7, v3;
	v4 =	vand.u32 $0xFFFFFFC0, v63  }
0xb8: {  	v3 =	vor.u32 v3, v4  }
0xb9: {  	v4 =	vperm.xlane v3, v0;
	_ =	sdelay $0x1  }
0xba: {  	v4 =	vadd.s32 v1, v4;
	_ =	sdelay $0x3  }
0xbb: {  	s20 =	simm.s32 $0xC080  }
0xbc: {  	[tilespmem:s20], [sflag:$0x1] =	stream.indirect_vreg.gather [hbm4b:s1+s3], $0x80, v4, vm0, $0xb8;
	[tilespmem:$0x10080] =	vst v63  }
0xbd: {  	v3 =	vperm.xlane v3, v2;
	s20 =	simm.s32 $0xC880  }
0xbe: {  	[tilespmem:s20], [sflag:$0x1] =	stream.indirect_vreg.gather [hbm4b:s4+s3], $0x80, v4, vm0, $0xb8;
	[tilespmem:$0x10080] =	vst v63  }
0xbf: {  	v3 =	vadd.s32 v1, v3;
	s20 =	simm.s32 $0xD080  }
0xc0: {  	[tilespmem:s20], [sflag:$0x1] =	stream.indirect_vreg.gather [hbm4b:s6+s3], $0x80, v4, vm0, $0xb8;
	[tilespmem:$0x10080] =	vst v63  }
0xc1: {  	s20 =	simm.s32 $0xD880  }
0xc2: {  	[tilespmem:s20], [sflag:$0x1] =	stream.indirect_vreg.gather [hbm4b:s7+s3], $0x80, v4, vm0, $0xb8;
	[tilespmem:$0x10080] =	vst v63  }
0xc3: {  	s20 =	simm.s32 $0xE080  }
0xc4: {  	[tilespmem:s20], [sflag:$0x1] =	stream.indirect_vreg.gather [hbm4b:s1+s3], $0x80, v3, vm0, $0xb8;
	[tilespmem:$0x10080] =	vst v63  }
0xc5: {  	s20 =	simm.s32 $0xE880  }
0xc6: {  	[tilespmem:s20], [sflag:$0x1] =	stream.indirect_vreg.gather [hbm4b:s4+s3], $0x80, v3, vm0, $0xb8;
	[tilespmem:$0x10080] =	vst v63  }
0xc7: {  	s20 =	simm.s32 $0xF080  }
0xc8: {  	[tilespmem:s20], [sflag:$0x1] =	stream.indirect_vreg.gather [hbm4b:s6+s3], $0x80, v3, vm0, $0xb8;
	[tilespmem:$0x10080] =	vst v63  }
0xc9: {  	s20 =	simm.s32 $0xF880  }
0xca: {  	[tilespmem:s20], [sflag:$0x1] =	stream.indirect_vreg.gather [hbm4b:s7+s3], $0x80, v3, vm0, $0xb8;
	[tilespmem:$0x10080] =	vst v63  }
0xcb: {  	_ =	swait.ge [sflag:s19], $0x10000  }
0xcc: {  	p0 =	sne.s32 s8, $0x1;
	[sflag:s19] =	ssyncset.done $0x0  }
.Ltmp0:
0xcd: {  	s2 =	rddreg [dreg:$0x5];
	[sflag:s19] =	ssyncadd.s32 $0xFFFF0000;
	(pc) =	sbr.rel @p0 .LBB2_1-.Ltmp0, $4  }
0xce: {  	[hbm4b:s2+s3] =	stream.linear.scatter [tilespmem:s0], [sflag:$0x2], $0x10000, $0x38;
	[tilespmem:$0x10080] =	vst v63  }
0xcf: {  	_ =	swait.ge [sflag:s9], $0x10000  }
0xd0: {  	[sflag:s9] =	ssyncset.done $0x0  }
0xd1: {  	s8 =	sadd.s32 $0xFFFFFFFF, s8;
	[sflag:s9] =	ssyncadd.s32 $0xFFFF0000  }
0xd2: {  	_ =	sfence.sel $0x180000  }
0xd3: {  	[bflag:$0x0] =	sbarrier.arrive $0xFFFF  }
0xd4: {  	_ =	strace $0x90000047  }
0xd5: {  	s0 =	stileid.u32;
	[bflag:$0x2] =	sbarrier.arrive $0xFFFF  }
0xd6: {  	p0 =	sne.s32 s0, $0x0;
	s0 =	rddreg [dreg:$0x3]  }
0xd7: {  	s0 =	sadd.s32 @!p0 $0x100000, s0  }
0xd8: {  	[sflag:s0] =	ssyncadd.tile.s32 @!p0 $0x1;
	_ =	shalt  }
.Lfunc_end2:
_tile_overlayer_lowered:
.L_overlay_start_2:
0xd9: {  	(tag) =	ssettag $0x2  }
0xda: {  	s0 =	rddreg [dreg:$0x0];
	s2 =	stileid.u32  }
0xdb: {  	s1 =	rddreg [dreg:$0x1];
	p0 =	sne.s32 s2, $0x0  }
0xdc: {  	s3 =	rddreg [dreg:$0x2];
	[bflag:$0x3] =	sbarrier.arrive $0xFFFF;
	s2 =	simm.s32 @!p0 $0x1C02  }
0xdd: {  	[timem:s3], [sflag:s2] =	dma.local @!p0 [hbm:s0], s1  }
0xde: {  	s0 =	simm.s32 @!p0 $0x2  }
0xdf: {  	_ =	swait.ge @!p0 [sflag:s0], s1  }
0xe0: {  	s1 =	ssub.s32 @!p0 $0x0, s1;
	[sflag:s0] =	ssyncset.done @!p0 $0x0  }
0xe1: {  	[sflag:s0] =	ssyncadd.s32 @!p0 s1  }
0xe2: {  	[bflag:$0x3] =	sbarrier.arrive $0xFFFF  }
0xe3: {  	_ =	shalt  }

</sc_bundles>
